<compile_context>
chip_gen: v7x
topology: tpu7x:2x2x1
jax: 0.10.2.dev20260603
libtpu: 0.0.44.dev20260713+nightly
codegen_flags: <defaults>
</compile_context>

<pallas_src>
import functools

import jax
import jax.numpy as jnp
from jax import lax
from jax.experimental import pallas as pl
from jax.experimental.pallas import tpu as pltpu
from jax.experimental.pallas import tpu_sc as plsc

NUM_CORES = 2
NUM_SUBCORES = 16
LANES = 16
NW = NUM_CORES * NUM_SUBCORES

PAIRS = 768
ROWS = PAIRS // NW
DIM = 12
PERIODS = 288
PT_WORDS = PERIODS * DIM
WT_WORDS = 7 * DIM


def _floor_off(v, hi):
    i = v.astype(jnp.int32)
    i = jnp.where(i.astype(jnp.float32) > v, i - 1, i)
    return jnp.clip(i, 0, hi) * DIM


def _sc_body(xsw, tef, ptf, wtf, out, xbuf, pibuf, wibuf, tebuf, ptbuf,
             wtbuf, outbuf, sem):
    wid = lax.axis_index("s") * NUM_CORES + lax.axis_index("c")
    base = wid * ROWS

    c1 = pltpu.async_copy(xsw.at[pl.ds(base, ROWS)], xbuf.at[pl.ds(0, ROWS)], sem)
    c2 = pltpu.async_copy(xsw.at[pl.ds(PAIRS + base, ROWS)],
                          xbuf.at[pl.ds(32, ROWS)], sem)
    c3 = pltpu.async_copy(tef.at[pl.ds(base * DIM, ROWS * DIM)],
                          tebuf.at[pl.ds(0, ROWS * DIM)], sem)
    c4 = pltpu.async_copy(ptf, ptbuf.at[pl.ds(0, PT_WORDS)], sem)
    c5 = pltpu.async_copy(wtf, wtbuf.at[pl.ds(0, WT_WORDS)], sem)
    c1.wait()
    c2.wait()

    for off in (0, ROWS - LANES):
        pv = xbuf[pl.ds(off, LANES)]
        wv = xbuf[pl.ds(32 + off, LANES)]
        pibuf[pl.ds(off, LANES)] = _floor_off(pv * float(PERIODS), PERIODS - 1)
        wibuf[pl.ds(off, LANES)] = _floor_off(wv, 6)

    c3.wait()
    c4.wait()
    c5.wait()

    def body(r, carry):
        p12 = pibuf[pl.ds(r, LANES)][0]
        w12 = wibuf[pl.ds(r, LANES)][0]
        tev = tebuf[pl.ds(r * DIM, LANES)]
        pe = ptbuf[pl.ds(p12, LANES)]
        we = wtbuf[pl.ds(w12, LANES)]
        outbuf[pl.ds(r * DIM, LANES)] = tev * pe * we
        return carry

    lax.fori_loop(0, ROWS, body, 0)

    pltpu.sync_copy(outbuf.at[pl.ds(0, ROWS * DIM)],
                    out.at[pl.ds(base * DIM, ROWS * DIM)])


_sc_encoder = functools.partial(
    pl.kernel,
    mesh=plsc.VectorSubcoreMesh(core_axis_name="c", subcore_axis_name="s"),
    out_type=jax.ShapeDtypeStruct((PAIRS * DIM,), jnp.float32),
    scratch_types=[
        pltpu.VMEM((64,), jnp.float32),
        pltpu.VMEM((ROWS + LANES,), jnp.int32),
        pltpu.VMEM((ROWS + LANES,), jnp.int32),
        pltpu.VMEM((ROWS * DIM + LANES,), jnp.float32),
        pltpu.VMEM((PT_WORDS + LANES,), jnp.float32),
        pltpu.VMEM((WT_WORDS + LANES,), jnp.float32),
        pltpu.VMEM((ROWS * DIM + LANES,), jnp.float32),
        pltpu.SemaphoreType.DMA,
    ],
)(_sc_body)


def kernel(x, periods_table, weekend_table, node_embeddings, time_embeddings):
    b, t = x.shape[0], x.shape[1]
    xsw = x[:, :, 0, 1:3].transpose(2, 0, 1).reshape(2 * b * t)
    tef = time_embeddings[:b].reshape(b * t * DIM)
    ptf = periods_table.reshape(PT_WORDS)
    wtf = weekend_table.reshape(WT_WORDS)
    out = _sc_encoder(xsw, tef, ptf, wtf)
    return node_embeddings, out.reshape(b, t, DIM)

# --- scband reference (transcript-rebuilt; emitter-appended) ---
"""Pipeline reference for scband-encoder-83133386982088 (READ-ONLY COPY).

The authoritative reference and input builder live on the scoring server;
editing this copy changes nothing except your own understanding.
"""

import jax, jax.numpy as jnp
import numpy as np

NUM_NODES = 10000
BATCH = 64
IN_STEPS = 12
INPUT_DIM = 3
PERIODS = 288
WEEKEND = 7
EMBED_DIM = 12
PERIODS_DIM = 12
WEEKEND_DIM = 12


def setup_inputs(seed: int = 0) -> dict:
    key = jax.random.key(seed)
    k_x, k_pt, k_wt, k_ne, k_te = jax.random.split(key, 5)
    x = jax.random.uniform(k_x, (BATCH, IN_STEPS, NUM_NODES, INPUT_DIM), dtype=jnp.float32)
    periods_table = jax.random.normal(k_pt, (PERIODS, PERIODS_DIM), dtype=jnp.float32)
    weekend_table = jax.random.normal(k_wt, (WEEKEND, WEEKEND_DIM), dtype=jnp.float32)
    node_embeddings = jax.random.normal(k_ne, (NUM_NODES, EMBED_DIM), dtype=jnp.float32)
    time_embeddings = jax.random.normal(k_te, (BATCH, IN_STEPS, EMBED_DIM), dtype=jnp.float32)
    return {
        "x": x,
        "periods_table": periods_table,
        "weekend_table": weekend_table,
        "node_embeddings": node_embeddings,
        "time_embeddings": time_embeddings,
    }


def reference(x, periods_table, weekend_table, node_embeddings, time_embeddings):
    batch_size = x.shape[0]
    node_embedding = node_embeddings
    time_embedding = time_embeddings[:batch_size]
    periods = x[..., 1]
    weekend = x[..., 2]
    # periods embedding lookup: indices = floor(periods * PERIODS) in [0, PERIODS)
    p_idx = (periods * PERIODS).astype(jnp.int32)  # [b, ti, n]
    periods_emb = jnp.take(periods_table, p_idx, axis=0)  # [b, ti, n, d]
    time_embedding = time_embedding * periods_emb[:, :, 0]  # select node 0 -> [b, ti, d]
    # weekend embedding lookup
    w_idx = weekend.astype(jnp.int32)  # [b, ti, n]
    weekend_emb = jnp.take(weekend_table, w_idx, axis=0)  # [b, ti, n, d]
    time_embedding = time_embedding * weekend_emb[:, :, 0]
    return (node_embedding, time_embedding)

if __name__ == "__main__":
    import jax
    _d = setup_inputs()
    print(jax.jit(kernel)(*tuple(_d.values())))

</pallas_src>

<mosaic_0001>
#map = affine_map<(d0, d1) -> (0)>
module attributes {stable_mosaic.version = 14 : i64} {
  func.func @_sc_body(%arg0: i32, %arg1: i32, %arg2: memref<1536xf32, #tpu.memory_space<hbm>>, %arg3: memref<9216xf32, #tpu.memory_space<hbm>>, %arg4: memref<3456xf32, #tpu.memory_space<hbm>>, %arg5: memref<84xf32, #tpu.memory_space<hbm>>, %arg6: memref<9216xf32, #tpu.memory_space<hbm>>, %arg7: memref<64xf32, #tpu.memory_space<vmem>>, %arg8: memref<40xi32, #tpu.memory_space<vmem>>, %arg9: memref<40xi32, #tpu.memory_space<vmem>>, %arg10: memref<304xf32, #tpu.memory_space<vmem>>, %arg11: memref<3472xf32, #tpu.memory_space<vmem>>, %arg12: memref<100xf32, #tpu.memory_space<vmem>>, %arg13: memref<304xf32, #tpu.memory_space<vmem>>, %arg14: memref<!tpu.dma_semaphore, #tpu.memory_space<semaphore_mem>>) attributes {dimension_semantics = [#tpu.dimension_semantics<core_parallel>, #tpu.dimension_semantics<subcore_parallel>], iteration_bounds = array<i64: 2, 16>, scalar_prefetch = 0 : i64, scratch_operands = 8 : i64, tpu.core_type = #tpu.core_type<sc_vector_subcore>, window_params = [{transform_indices = #map}, {transform_indices = #map}, {transform_indices = #map}, {transform_indices = #map}, {transform_indices = #map}]} {
    %mul3A = arith.constant 2 : i32
    %mul3A_0 = arith.muli %arg1, %mul3A : i32
    %add3A = arith.addi %mul3A_0, %arg0 : i32
    %mul3A_1 = arith.constant 24 : i32
    %mul3A_2 = arith.muli %add3A, %mul3A_1 : i32
    %dma_start3A = arith.constant 0 : i32
    %dma_start3A_3 = tpu.memref_slice %arg7[%dma_start3A] : memref<64xf32, #tpu.memory_space<vmem>> -> memref<24xf32, #tpu.memory_space<vmem>>
    %dma_start3A_4 = tpu.memref_slice %arg2[%mul3A_2] : memref<1536xf32, #tpu.memory_space<hbm>> -> memref<24xf32, #tpu.memory_space<hbm>>
    %dma_start3A_5 = arith.constant 0 : i32
    %dma_start3A_6 = tpu.memref_slice %arg7[%dma_start3A_5] : memref<64xf32, #tpu.memory_space<vmem>> -> memref<24xf32, #tpu.memory_space<vmem>>
    %dma_start3A_7 = tpu.memref_slice %arg2[%mul3A_2] : memref<1536xf32, #tpu.memory_space<hbm>> -> memref<24xf32, #tpu.memory_space<hbm>>
    tpu.enqueue_dma source(%dma_start3A_7 : memref<24xf32, #tpu.memory_space<hbm>>) target(%dma_start3A_6 : memref<24xf32, #tpu.memory_space<vmem>>) target_semaphore(%arg14 : memref<!tpu.dma_semaphore, #tpu.memory_space<semaphore_mem>>)
    %add3A_8 = arith.constant 768 : i32
    %add3A_9 = arith.addi %add3A_8, %mul3A_2 : i32
    %dma_start3A_10 = arith.constant 32 : i32
    %dma_start3A_11 = tpu.memref_slice %arg7[%dma_start3A_10] : memref<64xf32, #tpu.memory_space<vmem>> -> memref<24xf32, #tpu.memory_space<vmem>>
    %dma_start3A_12 = tpu.memref_slice %arg2[%add3A_9] : memref<1536xf32, #tpu.memory_space<hbm>> -> memref<24xf32, #tpu.memory_space<hbm>>
    %dma_start3A_13 = arith.constant 32 : i32
    %dma_start3A_14 = tpu.memref_slice %arg7[%dma_start3A_13] : memref<64xf32, #tpu.memory_space<vmem>> -> memref<24xf32, #tpu.memory_space<vmem>>
    %dma_start3A_15 = tpu.memref_slice %arg2[%add3A_9] : memref<1536xf32, #tpu.memory_space<hbm>> -> memref<24xf32, #tpu.memory_space<hbm>>
    tpu.enqueue_dma source(%dma_start3A_15 : memref<24xf32, #tpu.memory_space<hbm>>) target(%dma_start3A_14 : memref<24xf32, #tpu.memory_space<vmem>>) target_semaphore(%arg14 : memref<!tpu.dma_semaphore, #tpu.memory_space<semaphore_mem>>)
    %mul3A_16 = arith.constant 12 : i32
    %mul3A_17 = arith.muli %mul3A_2, %mul3A_16 : i32
    %dma_start3A_18 = arith.constant 0 : i32
    %dma_start3A_19 = tpu.memref_slice %arg10[%dma_start3A_18] : memref<304xf32, #tpu.memory_space<vmem>> -> memref<288xf32, #tpu.memory_space<vmem>>
    %dma_start3A_20 = tpu.memref_slice %arg3[%mul3A_17] : memref<9216xf32, #tpu.memory_space<hbm>> -> memref<288xf32, #tpu.memory_space<hbm>>
    %dma_start3A_21 = arith.constant 0 : i32
    %dma_start3A_22 = tpu.memref_slice %arg10[%dma_start3A_21] : memref<304xf32, #tpu.memory_space<vmem>> -> memref<288xf32, #tpu.memory_space<vmem>>
    %dma_start3A_23 = tpu.memref_slice %arg3[%mul3A_17] : memref<9216xf32, #tpu.memory_space<hbm>> -> memref<288xf32, #tpu.memory_space<hbm>>
    tpu.enqueue_dma source(%dma_start3A_23 : memref<288xf32, #tpu.memory_space<hbm>>) target(%dma_start3A_22 : memref<288xf32, #tpu.memory_space<vmem>>) target_semaphore(%arg14 : memref<!tpu.dma_semaphore, #tpu.memory_space<semaphore_mem>>)
    %dma_start3A_24 = arith.constant 0 : i32
    %dma_start3A_25 = tpu.memref_slice %arg11[%dma_start3A_24] : memref<3472xf32, #tpu.memory_space<vmem>> -> memref<3456xf32, #tpu.memory_space<vmem>>
    %dma_start3A_26 = arith.constant 0 : i32
    %dma_start3A_27 = tpu.memref_slice %arg11[%dma_start3A_26] : memref<3472xf32, #tpu.memory_space<vmem>> -> memref<3456xf32, #tpu.memory_space<vmem>>
    tpu.enqueue_dma source(%arg4 : memref<3456xf32, #tpu.memory_space<hbm>>) target(%dma_start3A_27 : memref<3456xf32, #tpu.memory_space<vmem>>) target_semaphore(%arg14 : memref<!tpu.dma_semaphore, #tpu.memory_space<semaphore_mem>>)
    %dma_start3A_28 = arith.constant 0 : i32
    %dma_start3A_29 = tpu.memref_slice %arg12[%dma_start3A_28] : memref<100xf32, #tpu.memory_space<vmem>> -> memref<84xf32, #tpu.memory_space<vmem>>
    %dma_start3A_30 = arith.constant 0 : i32
    %dma_start3A_31 = tpu.memref_slice %arg12[%dma_start3A_30] : memref<100xf32, #tpu.memory_space<vmem>> -> memref<84xf32, #tpu.memory_space<vmem>>
    tpu.enqueue_dma source(%arg5 : memref<84xf32, #tpu.memory_space<hbm>>) target(%dma_start3A_31 : memref<84xf32, #tpu.memory_space<vmem>>) target_semaphore(%arg14 : memref<!tpu.dma_semaphore, #tpu.memory_space<semaphore_mem>>)
    %dma_wait3A = arith.constant 0 : i32
    %dma_wait3A_32 = tpu.memref_slice %arg7[%dma_wait3A] : memref<64xf32, #tpu.memory_space<vmem>> -> memref<24xf32, #tpu.memory_space<vmem>>
    %dma_wait3A_33 = tpu.memref_slice %arg2[%mul3A_2] : memref<1536xf32, #tpu.memory_space<hbm>> -> memref<24xf32, #tpu.memory_space<hbm>>
    %dma_wait3A_34 = arith.constant 0 : i32
    %dma_wait3A_35 = tpu.memref_slice %arg7[%dma_wait3A_34] : memref<64xf32, #tpu.memory_space<vmem>> -> memref<24xf32, #tpu.memory_space<vmem>>
    %dma_wait3A_36 = tpu.memref_slice %arg2[%mul3A_2] : memref<1536xf32, #tpu.memory_space<hbm>> -> memref<24xf32, #tpu.memory_space<hbm>>
    tpu.wait_dma2 semaphore(%arg14 : memref<!tpu.dma_semaphore, #tpu.memory_space<semaphore_mem>>) src(%dma_wait3A_36 : memref<24xf32, #tpu.memory_space<hbm>>) dst(%dma_wait3A_35 : memref<24xf32, #tpu.memory_space<vmem>>)
    %dma_wait3A_37 = arith.constant 32 : i32
    %dma_wait3A_38 = tpu.memref_slice %arg7[%dma_wait3A_37] : memref<64xf32, #tpu.memory_space<vmem>> -> memref<24xf32, #tpu.memory_space<vmem>>
    %dma_wait3A_39 = tpu.memref_slice %arg2[%add3A_9] : memref<1536xf32, #tpu.memory_space<hbm>> -> memref<24xf32, #tpu.memory_space<hbm>>
    %dma_wait3A_40 = arith.constant 32 : i32
    %dma_wait3A_41 = tpu.memref_slice %arg7[%dma_wait3A_40] : memref<64xf32, #tpu.memory_space<vmem>> -> memref<24xf32, #tpu.memory_space<vmem>>
    %dma_wait3A_42 = tpu.memref_slice %arg2[%add3A_9] : memref<1536xf32, #tpu.memory_space<hbm>> -> memref<24xf32, #tpu.memory_space<hbm>>
    tpu.wait_dma2 semaphore(%arg14 : memref<!tpu.dma_semaphore, #tpu.memory_space<semaphore_mem>>) src(%dma_wait3A_42 : memref<24xf32, #tpu.memory_space<hbm>>) dst(%dma_wait3A_41 : memref<24xf32, #tpu.memory_space<vmem>>)
    %get3A = arith.constant 0 : index
    %get3A_43 = tpu.vector_load %arg7[%get3A] {strides = array<i32>} : memref<64xf32, #tpu.memory_space<vmem>>, vector<16xf32>,
    %get3A_44 = vector.shape_cast %get3A_43 : vector<16xf32> to vector<16xf32>
    %get3A_45 = arith.constant 32 : index
    %get3A_46 = tpu.vector_load %arg7[%get3A_45] {strides = array<i32>} : memref<64xf32, #tpu.memory_space<vmem>>, vector<16xf32>,
    %get3A_47 = vector.shape_cast %get3A_46 : vector<16xf32> to vector<16xf32>
    %mul3A_48 = arith.constant 2.880000e+02 : f32
    %mul3A_49 = vector.broadcast %mul3A_48 : f32 to vector<16xf32>
    %mul3A_50 = arith.mulf %get3A_44, %mul3A_49 : vector<16xf32>
    %convert_element_type3A = arith.fptosi %mul3A_50 : vector<16xf32> to vector<16xi32>
    %convert_element_type3A_51 = arith.sitofp %convert_element_type3A : vector<16xi32> to vector<16xf32>
    %gt3A = arith.cmpf ogt, %convert_element_type3A_51, %mul3A_50 : vector<16xf32>
    %sub3A = arith.constant 1 : i32
    %sub3A_52 = vector.broadcast %sub3A : i32 to vector<16xi32>
    %sub3A_53 = arith.subi %convert_element_type3A, %sub3A_52 : vector<16xi32>
    %select_n3A = arith.select %gt3A, %sub3A_53, %convert_element_type3A : vector<16xi1>, vector<16xi32>
    %jit3A = arith.constant 0 : i32
    %jit3A_54 = arith.constant 287 : i32
    %max3A = vector.broadcast %jit3A : i32 to vector<16xi32>
    %max3A_55 = arith.maxsi %max3A, %select_n3A : vector<16xi32>
    %min3A = vector.broadcast %jit3A_54 : i32 to vector<16xi32>
    %min3A_56 = arith.minsi %min3A, %max3A_55 : vector<16xi32>
    %mul3A_57 = arith.constant 12 : i32
    %mul3A_58 = vector.broadcast %mul3A_57 : i32 to vector<16xi32>
    %mul3A_59 = arith.muli %min3A_56, %mul3A_58 : vector<16xi32>
    %swap3A = arith.constant 0 : index
    %swap3A_60 = tpu.vector_load %arg8[%swap3A] {strides = array<i32>} : memref<40xi32, #tpu.memory_space<vmem>>, vector<16xi32>,
    %swap3A_61 = vector.shape_cast %swap3A_60 : vector<16xi32> to vector<16xi32>
    %swap3A_62 = vector.shape_cast %mul3A_59 : vector<16xi32> to vector<16xi32>
    tpu.vector_store %arg8[%swap3A], %swap3A_62 {strides = array<i32>} : memref<40xi32, #tpu.memory_space<vmem>>, vector<16xi32>,
    %convert_element_type3A_63 = arith.fptosi %get3A_47 : vector<16xf32> to vector<16xi32>
    %convert_element_type3A_64 = arith.sitofp %convert_element_type3A_63 : vector<16xi32> to vector<16xf32>
    %gt3A_65 = arith.cmpf ogt, %convert_element_type3A_64, %get3A_47 : vector<16xf32>
    %sub3A_66 = arith.constant 1 : i32
    %sub3A_67 = vector.broadcast %sub3A_66 : i32 to vector<16xi32>
    %sub3A_68 = arith.subi %convert_element_type3A_63, %sub3A_67 : vector<16xi32>
    %select_n3A_69 = arith.select %gt3A_65, %sub3A_68, %convert_element_type3A_63 : vector<16xi1>, vector<16xi32>
    %jit3A_70 = arith.constant 0 : i32
    %jit3A_71 = arith.constant 6 : i32
    %max3A_72 = vector.broadcast %jit3A_70 : i32 to vector<16xi32>
    %max3A_73 = arith.maxsi %max3A_72, %select_n3A_69 : vector<16xi32>
    %min3A_74 = vector.broadcast %jit3A_71 : i32 to vector<16xi32>
    %min3A_75 = arith.minsi %min3A_74, %max3A_73 : vector<16xi32>
    %mul3A_76 = arith.constant 12 : i32
    %mul3A_77 = vector.broadcast %mul3A_76 : i32 to vector<16xi32>
    %mul3A_78 = arith.muli %min3A_75, %mul3A_77 : vector<16xi32>
    %swap3A_79 = arith.constant 0 : index
    %swap3A_80 = tpu.vector_load %arg9[%swap3A_79] {strides = array<i32>} : memref<40xi32, #tpu.memory_space<vmem>>, vector<16xi32>,
    %swap3A_81 = vector.shape_cast %swap3A_80 : vector<16xi32> to vector<16xi32>
    %swap3A_82 = vector.shape_cast %mul3A_78 : vector<16xi32> to vector<16xi32>
    tpu.vector_store %arg9[%swap3A_79], %swap3A_82 {strides = array<i32>} : memref<40xi32, #tpu.memory_space<vmem>>, vector<16xi32>,
    %get3A_83 = arith.constant 8 : index
    %get3A_84 = tpu.vector_load %arg7[%get3A_83] {strides = array<i32>} : memref<64xf32, #tpu.memory_space<vmem>>, vector<16xf32>,
    %get3A_85 = vector.shape_cast %get3A_84 : vector<16xf32> to vector<16xf32>
    %get3A_86 = arith.constant 40 : index
    %get3A_87 = tpu.vector_load %arg7[%get3A_86] {strides = array<i32>} : memref<64xf32, #tpu.memory_space<vmem>>, vector<16xf32>,
    %get3A_88 = vector.shape_cast %get3A_87 : vector<16xf32> to vector<16xf32>
    %mul3A_89 = arith.constant 2.880000e+02 : f32
    %mul3A_90 = vector.broadcast %mul3A_89 : f32 to vector<16xf32>
    %mul3A_91 = arith.mulf %get3A_85, %mul3A_90 : vector<16xf32>
    %convert_element_type3A_92 = arith.fptosi %mul3A_91 : vector<16xf32> to vector<16xi32>
    %convert_element_type3A_93 = arith.sitofp %convert_element_type3A_92 : vector<16xi32> to vector<16xf32>
    %gt3A_94 = arith.cmpf ogt, %convert_element_type3A_93, %mul3A_91 : vector<16xf32>
    %sub3A_95 = arith.constant 1 : i32
    %sub3A_96 = vector.broadcast %sub3A_95 : i32 to vector<16xi32>
    %sub3A_97 = arith.subi %convert_element_type3A_92, %sub3A_96 : vector<16xi32>
    %select_n3A_98 = arith.select %gt3A_94, %sub3A_97, %convert_element_type3A_92 : vector<16xi1>, vector<16xi32>
    %jit3A_99 = arith.constant 0 : i32
    %jit3A_100 = arith.constant 287 : i32
    %max3A_101 = vector.broadcast %jit3A_99 : i32 to vector<16xi32>
    %max3A_102 = arith.maxsi %max3A_101, %select_n3A_98 : vector<16xi32>
    %min3A_103 = vector.broadcast %jit3A_100 : i32 to vector<16xi32>
    %min3A_104 = arith.minsi %min3A_103, %max3A_102 : vector<16xi32>
    %mul3A_105 = arith.constant 12 : i32
    %mul3A_106 = vector.broadcast %mul3A_105 : i32 to vector<16xi32>
    %mul3A_107 = arith.muli %min3A_104, %mul3A_106 : vector<16xi32>
    %swap3A_108 = arith.constant 8 : index
    %swap3A_109 = tpu.vector_load %arg8[%swap3A_108] {strides = array<i32>} : memref<40xi32, #tpu.memory_space<vmem>>, vector<16xi32>,
    %swap3A_110 = vector.shape_cast %swap3A_109 : vector<16xi32> to vector<16xi32>
    %swap3A_111 = vector.shape_cast %mul3A_107 : vector<16xi32> to vector<16xi32>
    tpu.vector_store %arg8[%swap3A_108], %swap3A_111 {strides = array<i32>} : memref<40xi32, #tpu.memory_space<vmem>>, vector<16xi32>,
    %convert_element_type3A_112 = arith.fptosi %get3A_88 : vector<16xf32> to vector<16xi32>
    %convert_element_type3A_113 = arith.sitofp %convert_element_type3A_112 : vector<16xi32> to vector<16xf32>
    %gt3A_114 = arith.cmpf ogt, %convert_element_type3A_113, %get3A_88 : vector<16xf32>
    %sub3A_115 = arith.constant 1 : i32
    %sub3A_116 = vector.broadcast %sub3A_115 : i32 to vector<16xi32>
    %sub3A_117 = arith.subi %convert_element_type3A_112, %sub3A_116 : vector<16xi32>
    %select_n3A_118 = arith.select %gt3A_114, %sub3A_117, %convert_element_type3A_112 : vector<16xi1>, vector<16xi32>
    %jit3A_119 = arith.constant 0 : i32
    %jit3A_120 = arith.constant 6 : i32
    %max3A_121 = vector.broadcast %jit3A_119 : i32 to vector<16xi32>
    %max3A_122 = arith.maxsi %max3A_121, %select_n3A_118 : vector<16xi32>
    %min3A_123 = vector.broadcast %jit3A_120 : i32 to vector<16xi32>
    %min3A_124 = arith.minsi %min3A_123, %max3A_122 : vector<16xi32>
    %mul3A_125 = arith.constant 12 : i32
    %mul3A_126 = vector.broadcast %mul3A_125 : i32 to vector<16xi32>
    %mul3A_127 = arith.muli %min3A_124, %mul3A_126 : vector<16xi32>
    %swap3A_128 = arith.constant 8 : index
    %swap3A_129 = tpu.vector_load %arg9[%swap3A_128] {strides = array<i32>} : memref<40xi32, #tpu.memory_space<vmem>>, vector<16xi32>,
    %swap3A_130 = vector.shape_cast %swap3A_129 : vector<16xi32> to vector<16xi32>
    %swap3A_131 = vector.shape_cast %mul3A_127 : vector<16xi32> to vector<16xi32>
    tpu.vector_store %arg9[%swap3A_128], %swap3A_131 {strides = array<i32>} : memref<40xi32, #tpu.memory_space<vmem>>, vector<16xi32>,
    %dma_wait3A_132 = arith.constant 0 : i32
    %dma_wait3A_133 = tpu.memref_slice %arg10[%dma_wait3A_132] : memref<304xf32, #tpu.memory_space<vmem>> -> memref<288xf32, #tpu.memory_space<vmem>>
    %dma_wait3A_134 = tpu.memref_slice %arg3[%mul3A_17] : memref<9216xf32, #tpu.memory_space<hbm>> -> memref<288xf32, #tpu.memory_space<hbm>>
    %dma_wait3A_135 = arith.constant 0 : i32
    %dma_wait3A_136 = tpu.memref_slice %arg10[%dma_wait3A_135] : memref<304xf32, #tpu.memory_space<vmem>> -> memref<288xf32, #tpu.memory_space<vmem>>
    %dma_wait3A_137 = tpu.memref_slice %arg3[%mul3A_17] : memref<9216xf32, #tpu.memory_space<hbm>> -> memref<288xf32, #tpu.memory_space<hbm>>
    tpu.wait_dma2 semaphore(%arg14 : memref<!tpu.dma_semaphore, #tpu.memory_space<semaphore_mem>>) src(%dma_wait3A_137 : memref<288xf32, #tpu.memory_space<hbm>>) dst(%dma_wait3A_136 : memref<288xf32, #tpu.memory_space<vmem>>)
    %dma_wait3A_138 = arith.constant 0 : i32
    %dma_wait3A_139 = tpu.memref_slice %arg11[%dma_wait3A_138] : memref<3472xf32, #tpu.memory_space<vmem>> -> memref<3456xf32, #tpu.memory_space<vmem>>
    %dma_wait3A_140 = arith.constant 0 : i32
    %dma_wait3A_141 = tpu.memref_slice %arg11[%dma_wait3A_140] : memref<3472xf32, #tpu.memory_space<vmem>> -> memref<3456xf32, #tpu.memory_space<vmem>>
    tpu.wait_dma2 semaphore(%arg14 : memref<!tpu.dma_semaphore, #tpu.memory_space<semaphore_mem>>) src(%arg4 : memref<3456xf32, #tpu.memory_space<hbm>>) dst(%dma_wait3A_141 : memref<3456xf32, #tpu.memory_space<vmem>>)
    %dma_wait3A_142 = arith.constant 0 : i32
    %dma_wait3A_143 = tpu.memref_slice %arg12[%dma_wait3A_142] : memref<100xf32, #tpu.memory_space<vmem>> -> memref<84xf32, #tpu.memory_space<vmem>>
    %dma_wait3A_144 = arith.constant 0 : i32
    %dma_wait3A_145 = tpu.memref_slice %arg12[%dma_wait3A_144] : memref<100xf32, #tpu.memory_space<vmem>> -> memref<84xf32, #tpu.memory_space<vmem>>
    tpu.wait_dma2 semaphore(%arg14 : memref<!tpu.dma_semaphore, #tpu.memory_space<semaphore_mem>>) src(%arg5 : memref<84xf32, #tpu.memory_space<hbm>>) dst(%dma_wait3A_145 : memref<84xf32, #tpu.memory_space<vmem>>)
    %scan3A = arith.constant 0 : i32
    %scan3A_146 = arith.constant 0 : i32
    %scan3A_147 = arith.constant 24 : i32
    %scan3A_148 = arith.addi %scan3A_146, %scan3A_147 : i32
    %scan3A_149 = arith.constant 1 : i32
    scf.for %scan3A_153 = %scan3A_146 to %scan3A_148 step %scan3A_149  : i32 {
      %get3A_154 = arith.index_cast %scan3A_153 : i32 to index
      %get3A_155 = tpu.vector_load %arg8[%get3A_154] {strides = array<i32>} : memref<40xi32, #tpu.memory_space<vmem>>, vector<16xi32>,
      %get3A_156 = vector.shape_cast %get3A_155 : vector<16xi32> to vector<16xi32>
      %slice3A = vector.extract_strided_slice %get3A_156 {offsets = [0], sizes = [1], strides = [1]} : vector<16xi32> to vector<1xi32>
      %squeeze3A = vector.extract %slice3A[0] : i32 from vector<1xi32>
      %get3A_157 = arith.index_cast %scan3A_153 : i32 to index
      %get3A_158 = tpu.vector_load %arg9[%get3A_157] {strides = array<i32>} : memref<40xi32, #tpu.memory_space<vmem>>, vector<16xi32>,
      %get3A_159 = vector.shape_cast %get3A_158 : vector<16xi32> to vector<16xi32>
      %slice3A_160 = vector.extract_strided_slice %get3A_159 {offsets = [0], sizes = [1], strides = [1]} : vector<16xi32> to vector<1xi32>
      %squeeze3A_161 = vector.extract %slice3A_160[0] : i32 from vector<1xi32>
      %mul3A_162 = arith.constant 12 : i32
      %mul3A_163 = arith.muli %scan3A_153, %mul3A_162 : i32
      %get3A_164 = arith.index_cast %mul3A_163 : i32 to index
      %get3A_165 = tpu.vector_load %arg10[%get3A_164] {strides = array<i32>} : memref<304xf32, #tpu.memory_space<vmem>>, vector<16xf32>,
      %get3A_166 = vector.shape_cast %get3A_165 : vector<16xf32> to vector<16xf32>
      %get3A_167 = arith.index_cast %squeeze3A : i32 to index
      %get3A_168 = tpu.vector_load %arg11[%get3A_167] {strides = array<i32>} : memref<3472xf32, #tpu.memory_space<vmem>>, vector<16xf32>,
      %get3A_169 = vector.shape_cast %get3A_168 : vector<16xf32> to vector<16xf32>
      %get3A_170 = arith.index_cast %squeeze3A_161 : i32 to index
      %get3A_171 = tpu.vector_load %arg12[%get3A_170] {strides = array<i32>} : memref<100xf32, #tpu.memory_space<vmem>>, vector<16xf32>,
      %get3A_172 = vector.shape_cast %get3A_171 : vector<16xf32> to vector<16xf32>
      %mul3A_173 = arith.mulf %get3A_166, %get3A_169 : vector<16xf32>
      %mul3A_174 = arith.mulf %mul3A_173, %get3A_172 : vector<16xf32>
      %mul3A_175 = arith.constant 12 : i32
      %mul3A_176 = arith.muli %scan3A_153, %mul3A_175 : i32
      %swap3A_177 = arith.index_cast %mul3A_176 : i32 to index
      %swap3A_178 = tpu.vector_load %arg13[%swap3A_177] {strides = array<i32>} : memref<304xf32, #tpu.memory_space<vmem>>, vector<16xf32>,
      %swap3A_179 = vector.shape_cast %swap3A_178 : vector<16xf32> to vector<16xf32>
      %swap3A_180 = vector.shape_cast %mul3A_174 : vector<16xf32> to vector<16xf32>
      tpu.vector_store %arg13[%swap3A_177], %swap3A_180 {strides = array<i32>} : memref<304xf32, #tpu.memory_space<vmem>>, vector<16xf32>,
    }
    %scan3A_150 = arith.constant 24 : i32
    %mul3A_151 = arith.constant 12 : i32
    %mul3A_152 = arith.muli %mul3A_2, %mul3A_151 : i32
    "tpu.region"() ({
      %run_scoped3A = tpu.sem_alloc : memref<!tpu.dma_semaphore, #tpu.memory_space<semaphore_mem>>
      %dma_start3A_153 = arith.constant 0 : i32
      %dma_start3A_154 = tpu.memref_slice %arg13[%dma_start3A_153] : memref<304xf32, #tpu.memory_space<vmem>> -> memref<288xf32, #tpu.memory_space<vmem>>
      %dma_start3A_155 = tpu.memref_slice %arg6[%mul3A_152] : memref<9216xf32, #tpu.memory_space<hbm>> -> memref<288xf32, #tpu.memory_space<hbm>>
      %dma_start3A_156 = tpu.memref_slice %arg6[%mul3A_152] : memref<9216xf32, #tpu.memory_space<hbm>> -> memref<288xf32, #tpu.memory_space<hbm>>
      %dma_start3A_157 = arith.constant 0 : i32
      %dma_start3A_158 = tpu.memref_slice %arg13[%dma_start3A_157] : memref<304xf32, #tpu.memory_space<vmem>> -> memref<288xf32, #tpu.memory_space<vmem>>
      tpu.enqueue_dma source(%dma_start3A_158 : memref<288xf32, #tpu.memory_space<vmem>>) target(%dma_start3A_156 : memref<288xf32, #tpu.memory_space<hbm>>) target_semaphore(%run_scoped3A : memref<!tpu.dma_semaphore, #tpu.memory_space<semaphore_mem>>)
      %dma_wait3A_159 = arith.constant 0 : i32
      %dma_wait3A_160 = tpu.memref_slice %arg13[%dma_wait3A_159] : memref<304xf32, #tpu.memory_space<vmem>> -> memref<288xf32, #tpu.memory_space<vmem>>
      %dma_wait3A_161 = tpu.memref_slice %arg6[%mul3A_152] : memref<9216xf32, #tpu.memory_space<hbm>> -> memref<288xf32, #tpu.memory_space<hbm>>
      %dma_wait3A_162 = tpu.memref_slice %arg6[%mul3A_152] : memref<9216xf32, #tpu.memory_space<hbm>> -> memref<288xf32, #tpu.memory_space<hbm>>
      %dma_wait3A_163 = arith.constant 0 : i32
      %dma_wait3A_164 = tpu.memref_slice %arg13[%dma_wait3A_163] : memref<304xf32, #tpu.memory_space<vmem>> -> memref<288xf32, #tpu.memory_space<vmem>>
      tpu.wait_dma2 semaphore(%run_scoped3A : memref<!tpu.dma_semaphore, #tpu.memory_space<semaphore_mem>>) src(%dma_wait3A_164 : memref<288xf32, #tpu.memory_space<vmem>>) dst(%dma_wait3A_162 : memref<288xf32, #tpu.memory_space<hbm>>)
      tpu.yield
    }) : () -> ()
    return
  }
}

</mosaic_0001>

<sc_bundles>
// kernel: kernel.3.cloned.1.call-start
scs
__scs_entry_jumppad:
0x0: {  	(pc) =	sbr.rel $0x88, $3  }
0x1: {  	(tag) =	ssettag $0x0;
	lr =	simm.s32 $0x1  }
0x2: {  	[smem:$0x3F9C] =	sst lr;
	_ =	strace $0xD0000000  }
0x3: {  	_ = 	snop  }
0x4: {  	_ = 	snop  }
0x5: {  	_ = 	snop  }
0x6: {  	_ = 	snop  }
0x7: {  	_ = 	snop  }
__scs_overlays_trampoline_lowered:
0x8: {  	[smem:$0x3FAB] =	sst s0  }
0x9: {  	[smem:$0x3FAC] =	sst s1  }
0xa: {  	[smem:$0x3FAD] =	sst s2  }
0xb: {  	[smem:$0x3FAE] =	sst s3  }
0xc: {  	[smem:$0x3FAF] =	sst s4  }
0xd: {  	[smem:$0x3FB0] =	sst s5  }
0xe: {  	[smem:$0x3FB1] =	sst s6  }
0xf: {  	[smem:$0x3FB2] =	sst s7  }
0x10: {  	[smem:$0x3FB3] =	sst s8  }
0x11: {  	[smem:$0x3FB4] =	sst s9;
	s0 =	simm.s32 @!p0 $0x0  }
0x12: {  	s1 =	sld [smem:$0x3F9A];
	s0 =	simm.s32 @p0 $0x1  }
0x13: {  	[smem:$0x3FB5] =	sst s0;
	s0 =	simm.s32 @!p1 $0x0  }
0x14: {  	s2 =	sld [smem:$0x3F99];
	s0 =	simm.s32 @p1 $0x1  }
0x15: {  	[smem:$0x3FB6] =	sst s0;
	s0 =	simm.s32 @!p2 $0x0  }
0x16: {  	s3 =	sld [smem:$0x3FDB];
	s0 =	simm.s32 @p2 $0x1  }
0x17: {  	s4 =	simm.s32 $0x1BF5;
	[smem:$0x3FB8] =	sst s0  }
0x18: {  	s0 =	sld [smem:$0x3F9B];
	_ =	swait.ge [sflag:s4], $0x0  }
0x19: {  	s7 =	sld [smem:$0x3F9C]  }
0x1a: {  	s8 =	sadd.s32 $0xFFFFE003, lr  }
0x1b: {  	s9 =	sadd.s32 $0xFFFFFEF7, lr;
	s5 =	simm.s32 $0xFFFFFFFF;
	p2 =	slt.u32 s8, $0xFFFFF086  }
0x1c: {  	p1 =	slt.u32 s9, $0xF7A;
	s5 =	simm.s32 @!p2 $0x0  }
0x1d: {  	s5 =	simm.s32 @p1 $0x1;
	p0 =	seq.s32 s7, s2  }
0x1e: {  	s7 =	smul.u32 @!p0 $0xF7A, s2;
	p2 =	seq.s32 @!p0 s5, $0x0  }
0x1f: {  	s9 =	smul.u32 $0xF7A, s1;
	s8 =	simm.s32 @!p0 $0x1BF5;
	p2 =	por !p2, p0  }
0x20: {  	[sflag:s8] =	ssyncset.s32 @!p0 $0xFFFFF086;
	s6 =	sadd.s32 @!p0 s3, s7;
	s7 =	simm.s32 @!p0 $0x108  }
0x21: {  	s3 =	sadd.s32 s3, s9;
	s6 =	sadd.s32 @!p0 $0x88, s6;
	s7 =	simm.s32 @p2 $0x1082  }
0x22: {  	[simem:s7], [sflag:s8] =	dma.local @!p0 [hbm:s6], $0xF7A  }
0x23: {  	s9 =	sor.u32 $0xD0000000, s2;
	s6 =	simm.s32 $0x108;
	_ =	swait.ge @!p0 [sflag:s8], $0x0  }
0x24: {  	s3 =	sadd.s32 $0x88, s3;
	s6 =	simm.s32 @!p1 $0x1082;
	[sflag:s4] =	ssyncset.s32 $0xFFFFF086  }
0x25: {  	[simem:s6], [sflag:s4] =	dma.local [hbm:s3], $0xF7A  }
0x26: {  	[smem:$0x3F9C] =	sst s1;
	(tag) =	ssettag s2;
	_ =	strace s9  }
0x27: {  	s1 =	sld [smem:$0x3FAC]  }
0x28: {  	s2 =	sld [smem:$0x3FAD]  }
0x29: {  	s4 =	sld [smem:$0x3FAF]  }
0x2a: {  	p0 =	seq.s32 s5, $0x0;
	s5 =	sld [smem:$0x3FB0]  }
0x2b: {  	s6 =	sld [smem:$0x3FB1]  }
0x2c: {  	s7 =	sld [smem:$0x3FB2]  }
0x2d: {  	s3 =	simm.s32 $0x108;
	s8 =	sld [smem:$0x3FB3]  }
0x2e: {  	s3 =	simm.s32 @!p0 $0x1082;
	s9 =	sld [smem:$0x3FB4]  }
0x2f: {  	lr =	sadd.s32 s0, s3;
	s0 =	sld [smem:$0x3FAB]  }
0x30: {  	s3 =	sld [smem:$0x3FAE]  }
0x31: {  	[smem:$0x3FB7] =	sst s10  }
0x32: {  	s10 =	sld [smem:$0x3FB5];
	_ =	sdelay $0x3  }
0x33: {  	p0 =	seq.s32 s10, $0x1;
	s10 =	sld [smem:$0x3FB7];
	_ =	sdelay $0x3  }
0x34: {  	[smem:$0x3FB7] =	sst s10  }
0x35: {  	s10 =	sld [smem:$0x3FB6];
	_ =	sdelay $0x3  }
0x36: {  	p1 =	seq.s32 s10, $0x1;
	s10 =	sld [smem:$0x3FB7];
	_ =	sdelay $0x3  }
0x37: {  	[smem:$0x3FB7] =	sst s10  }
0x38: {  	s10 =	sld [smem:$0x3FB8]  }
0x39: {  	_ = 	snop;
	(pc) =	sbr.ind lr, $3  }
0x3a: {  	_ = 	snop  }
0x3b: {  	_ = 	snop  }
0x3c: {  	p2 =	seq.s32 s10, $0x1;
	s10 =	sld [smem:$0x3FB7]  }
0x3d: {  	_ =	shalt  }
0x3e: {  	_ =	shalt  }
0x3f: {  	_ =	shalt  }
0x40: {  	_ =	shalt  }
0x41: {  	_ =	shalt  }
0x42: {  	_ =	shalt  }
0x43: {  	_ =	shalt  }
0x44: {  	_ =	shalt  }
0x45: {  	_ =	shalt  }
0x46: {  	_ =	shalt  }
0x47: {  	_ =	shalt  }
0x48: {  	_ =	shalt  }
0x49: {  	_ =	shalt  }
0x4a: {  	_ =	shalt  }
0x4b: {  	_ =	shalt  }
0x4c: {  	_ =	shalt  }
0x4d: {  	_ =	shalt  }
0x4e: {  	_ =	shalt  }
0x4f: {  	_ =	shalt  }
0x50: {  	_ =	shalt  }
0x51: {  	_ =	shalt  }
0x52: {  	_ =	shalt  }
0x53: {  	_ =	shalt  }
0x54: {  	_ =	shalt  }
0x55: {  	_ =	shalt  }
0x56: {  	_ =	shalt  }
0x57: {  	_ =	shalt  }
0x58: {  	_ =	shalt  }
0x59: {  	_ =	shalt  }
0x5a: {  	_ =	shalt  }
0x5b: {  	_ =	shalt  }
0x5c: {  	_ =	shalt  }
0x5d: {  	_ =	shalt  }
0x5e: {  	_ =	shalt  }
0x5f: {  	_ =	shalt  }
0x60: {  	_ =	shalt  }
0x61: {  	_ =	shalt  }
0x62: {  	_ =	shalt  }
0x63: {  	_ =	shalt  }
0x64: {  	_ =	shalt  }
0x65: {  	_ =	shalt  }
0x66: {  	_ =	shalt  }
0x67: {  	_ =	shalt  }
0x68: {  	_ =	shalt  }
0x69: {  	_ =	shalt  }
0x6a: {  	_ =	shalt  }
0x6b: {  	_ =	shalt  }
0x6c: {  	_ =	shalt  }
0x6d: {  	_ =	shalt  }
0x6e: {  	_ =	shalt  }
0x6f: {  	_ =	shalt  }
0x70: {  	_ =	shalt  }
0x71: {  	_ =	shalt  }
0x72: {  	_ =	shalt  }
0x73: {  	_ =	shalt  }
0x74: {  	_ =	shalt  }
0x75: {  	_ =	shalt  }
0x76: {  	_ =	shalt  }
0x77: {  	_ =	shalt  }
0x78: {  	_ =	shalt  }
0x79: {  	_ =	shalt  }
0x7a: {  	_ =	shalt  }
0x7b: {  	_ =	shalt  }
0x7c: {  	_ =	shalt  }
0x7d: {  	_ =	shalt  }
0x7e: {  	_ =	shalt  }
0x7f: {  	_ =	shalt  }
0x80: {  	_ =	shalt  }
0x81: {  	_ =	shalt  }
0x82: {  	_ =	shalt  }
0x83: {  	_ =	shalt  }
0x84: {  	_ =	shalt  }
0x85: {  	_ =	shalt  }
0x86: {  	_ =	shalt  }
0x87: {  	_ =	shalt  }
.Lfunc_end0:
.L_simem_size_0:
called_computation_lowered:
.L_overlay_start_0:
0x88: {  	s2 =	sld [smem:$0x3FD9]  }
0x89: {  	s3 =	sld [smem:$0x3FFE];
	_ =	sdelay $0x1  }
0x8a: {  	s1 =	srdreg.scid  }
0x8b: {  	s0 =	sand.u32 $0x1, s1  }
0x8c: {  	s14 =	sshll.u32 s0, $0xA;
	s2 =	sadd.s32 s3, s2  }
0x8d: {  	s2 =	sadd.s32 s2, s14  }
0x8e: {  	[smem:$0x3FC3] =	sst s2  }
0x8f: {  	_ = 	snop  }
0x90: {  	s2 =	sld [smem:$0x3FD0];
	_ =	sdelay $0x2  }
0x91: {  	s15 =	simm.s32 $0xA;
	s4 =	simm.s32 $0x10  }
0x92: {  	[smem:s4], [sflag:s15] =	dma.local [hbm:s2], $0x1  }
0x93: {  	_ =	swait.eq [sflag:s15], $0x1  }
0x94: {  	[sflag:s15] =	ssyncset.done $0x0  }
0x95: {  	s16 =	sld [smem:$0x10];
	[sflag:s15] =	ssyncadd.s32 $0xFFFFFFFF  }
0x96: {  	s17 =	sld [smem:$0x11];
	(tm) =	ssettm $0x1  }
0x97: {  	s18 =	sld [smem:$0x3FFB];
	_ =	sdelay $0x3  }
0x98: {  	_ =	strace s18  }
0x99: {  	s4 =	sld [smem:$0x3FFC];
	_ =	sdelay $0x3  }
0x9a: {  	_ =	strace s4  }
0x9b: {  	s4 =	sld [smem:$0x3FFD];
	_ =	sdelay $0x3  }
0x9c: {  	_ =	strace s4  }
0x9d: {  	_ =	strace $0x8FFFFFFF  }
0x9e: {  	s19 =	sld [smem:$0x3FDB];
	_ =	sdelay $0x1  }
0x9f: {  	s5 =	simm.s32 $_scs_section_size  }
0xa0: {  	s6 =	simm.s32 $_size__tile_overlayer_lowered;
	s7 =	simm.s32 $_tile_overlayer_lowered  }
0xa1: {  	s22 =	simm.s32 $0x1BFF;
	s21 =	sshll.u32 s7, $0x1;
	s4 =	sadd.s32 s5, s19  }
0xa2: {  	s8 =	simm.s32 $0x0;
	s20 =	sshll.u32 s6, $0x1;
	s6 =	sadd.s32 s21, s4  }
0xa3: {  	[timem:s8], [sflag:s22] =	dma.local [hbm:s6], s20  }
0xa4: {  	_ =	swait.ge [sflag:s22], s20  }
0xa5: {  	s5 =	ssub.s32 $0x0, s20;
	[sflag:s22] =	ssyncset.done $0x0  }
0xa6: {  	[sflag:s22] =	ssyncadd.s32 s5;
	_ =	sdelay $0x1  }
0xa7: {  	s23 =	simm.s32 $0x1B8B  }
0xa8: {  	_ =	swait.ge [sflag:s23], $0x1  }
0xa9: {  	[sflag:s23] =	ssyncset.done $0x0  }
0xaa: {  	s25 =	simm.s32 $0x1B8E;
	s24 =	sld [smem:$0x3FFE];
	[sflag:s23] =	ssyncadd.s32 $0xFFFFFFFF  }
0xab: {  	s26 =	simm.s32 $execute0_lowered;
	[smem:$0x3FD2] =	sst s25  }
0xac: {  	s6 =	sshll.u32 s26, $0x1;
	_ =	strace $0x80000046;
	[dreg:$0x1] =	wrdreg $0xFFFFFFFF  }
0xad: {  	s28 =	simm.s32 $_size_execute0_lowered;
	s4 =	sadd.s32 s4, s6;
	[dreg:$0x0] =	wrdreg $0x0  }
0xae: {  	s6 =	sshll.u32 s28, $0x1;
	[dreg:$0x2] =	wrdreg s4  }
0xaf: {  	[dreg:$0x3] =	wrdreg s6  }
0xb0: {  	[dreg:$0x4] =	wrdreg $0xC0  }
0xb1: {  	_ =	task [dreg:s8], $0x5FFFF  }
0xb2: {  	[dreg:$0x1] =	wrdreg $0xFFFFFFFF  }
0xb3: {  	[dreg:$0x0] =	wrdreg $0x60  }
0xb4: {  	[dreg:$0x2] =	wrdreg s24  }
0xb5: {  	[dreg:$0x3] =	wrdreg s17  }
0xb6: {  	[dreg:$0x4] =	wrdreg s16  }
0xb7: {  	[dreg:$0x5] =	wrdreg $0x9  }
0xb8: {  	_ =	task.clear_ibuf [dreg:s8], $0x6FFFF;
	_ =	strace $0x90000046  }
0xb9: {  	s29 =	simm.s32 $0x9;
	_ =	strace $0x80000048  }
0xba: {  	_ =	swait.ge [sflag:s29], $0x1  }
0xbb: {  	[sflag:s29] =	ssyncadd.s32 $0xFFFFFFFF  }
0xbc: {  	_ =	strace $0x90000048  }
0xbd: {  	_ =	sfence  }
0xbe: {  	s30 =	sld [smem:$0x0];
	_ =	sdelay $0x2  }
0xbf: {  	s31 =	sshll.u32 s1, $0xD;
	s1 =	sshrl.u32 s1, $0x2  }
0xc0: {  	s3 =	sand.u32 $0x4000, s31;
	s1 =	sadd.s32 s1, s30  }
0xc1: {  	s0 =	sor.u32 s3, s0;
	s1 =	sshll.u32 s1, $0x11  }
0xc2: {  	s0 =	sor.u32 s1, s0  }
0xc3: {  	s0 =	sadd.s32 $0x8F2B, s0  }
0xc4: {  	[sflag:s0] =	ssyncadd.remote.s32 $0x1  }
0xc5: {  	_ =	sfence.sel $0xFFFF  }
0xc6: {  	[dreg:$0x0] =	wrdreg $0xFFFFFFFF;
	(pc) =	sbr.abs _section_cstart, $3  }
0xc7: {  	[dreg:$0x1] =	wrdreg $0xFFFFFFFF  }
0xc8: {  	_ =	task.clear_ibuf [dreg:s8], $0x2FFFF;
	_ =	strace $0x9FFFFFFF  }
0xc9: {  	(tm) =	ssettm $0x7FFFFFFF  }
tec
execute0_lowered:
.L_overlay_start_1:
0x0: {  	(tag) =	ssettag $0x1  }
0x1: {  	s1 =	rddreg [dreg:$0x0]  }
0x2: {  	s7 =	rddreg [dreg:$0x1];
	s2 =	srdreg.scid  }
0x3: {  	s0 =	stileid.u32;
	s8 =	rddreg [dreg:$0x2]  }
0x4: {  	s3 =	simm.s32 $0x0;
	s12 =	simm.s32 $0x1100;
	s13 =	simm.s32 $0x1  }
0x5: {  	s14 =	simm.s32 $0x1180;
	s4 =	sand.u32 $0x1, s2;
	s5 =	sshll.u32 s0, $0x1  }
0x6: {  	s15 =	simm.s32 $0x2;
	s16 =	simm.s32 $0x0;
	s5 =	sor.u32 s4, s5  }
0x7: {  	s2 =	rddreg [dreg:$0x3];
	s9 =	ssub.s32 $0x2, s4;
	s6 =	smul.u32 $0x18, s5  }
0x8: {  	[smem:$0x7FF] =	sst s3;
	s31 =	sshrl.u32 s9, $0x1;
	s10 =	smul.u32 $0x24, s5  }
0x9: {  	_ =	strace $0x80000047;
	s4 =	sadd.s32 $0x400, s1;
	s9 =	ssub.s32 s9, s31  }
0xa: {  	s30 =	sshrl.u32 s6, $0x3;
	s7 =	sadd.s32 s7, s10;
	s8 =	sadd.s32 s8, s10  }
0xb: {  	s9 =	smax.u32 s9, $0x1;
	s10 =	simm.s32 $0x20;
	s11 =	sadd.s32 s30, s1  }
0xc: {  	v0 =	vimm.s32 $0x0;
	s5 =	sadd.s32 $0x200, s11;
	s6 =	sadd.s32 $0x260, s11;
	s11 =	simm.s32 $0x300  }
.LBB2_1:
0xd: {  	[tilespmem:s3], [sflag:$0x1] =	stream.linear.gather [hbm4b:s5+s3], $0x18, $0x38;
	[tilespmem:$0x1300] =	vst v63  }
0xe: {  	_ = 	snop  }
0xf: {  	[tilespmem:s10], [sflag:$0x1] =	stream.linear.gather [hbm4b:s6+s3], $0x18, $0x38;
	[tilespmem:$0x1300] =	vst v63  }
0x10: {  	s17 =	simm.s32 $0x180  }
0x11: {  	[tilespmem:s17], [sflag:$0x1] =	stream.linear.gather [hbm4b:s7+s3], $0x120, $0x38;
	[tilespmem:$0x1300] =	vst v63  }
0x12: {  	_ = 	snop  }
0x13: {  	[tilespmem:s11], [sflag:$0x1] =	stream.linear.gather [hbm4b:s4+s3], $0xD80, $0x38;
	[tilespmem:$0x1300] =	vst v63  }
0x14: {  	_ = 	snop  }
0x15: {  	[tilespmem:s12], [sflag:$0x1] =	stream.linear.gather [hbm4b:s1+s3], $0x54, $0x38;
	[tilespmem:$0x1300] =	vst v63  }
0x16: {  	_ =	swait.ge [sflag:s13], $0x18  }
0x17: {  	[sflag:s13] =	ssyncset.done $0x0  }
0x18: {  	[sflag:s13] =	ssyncadd.s32 $0xFFFFFFE8  }
0x19: {  	_ =	swait.ge [sflag:s13], $0x18  }
0x1a: {  	[sflag:s13] =	ssyncset.done $0x0  }
0x1b: {  	[sflag:s13] =	ssyncadd.s32 $0xFFFFFFE8  }
0x1c: {  	v1 =	vld [tilespmem:$0x0]  }
0x1d: {  	v2 =	vld [tilespmem:$0x20]  }
0x1e: {  	v3 =	vld [tilespmem:$0x8];
	_ =	sdelay $0x3  }
0x1f: {  	v59 =	vld [tilespmem:$0x28];
	v1 =	vmul.f32 $2.880000000e+02, v1  }
0x20: {  	v60 =	vtrunc.f32 v2;
	v3 =	vmul.f32 $2.880000000e+02, v3  }
0x21: {  	vm10 =	vlt.f32 v2, v60;
	v2 =	vcvt.f32.s32 v60  }
0x22: {  	v4 =	vtrunc.f32 v1;
	v61 =	vsel vm10, $0xFFFFFFFF, v0;
	v6 =	vtrunc.f32 v3  }
0x23: {  	v5 =	vcvt.f32.s32 v4;
	vm0 =	vlt.f32 v1, v4;
	v7 =	vcvt.f32.s32 v6  }
0x24: {  	vm11 =	vlt.f32 v3, v6;
	v3 =	vtrunc.f32 v59;
	v2 =	vadd.s32 v2, v61  }
0x25: {  	v1 =	vsel vm0, $0xFFFFFFFF, v0;
	v6 =	vsel vm11, $0xFFFFFFFF, v0;
	vm12 =	vlt.f32 v59, v3  }
0x26: {  	v3 =	vcvt.f32.s32 v3;
	vm13 =	vgt.s32 v2, $0x0;
	v1 =	vadd.s32 v5, v1  }
0x27: {  	v62 =	vadd.s32 v7, v6;
	v63 =	vsel vm12, $0xFFFFFFFF, v0;
	v2 =	vnsel vm13, $0x0, v2  }
0x28: {  	vm9 =	vgt.s32 v1, $0x0;
	v3 =	vadd.s32 v3, v63;
	vm14 =	vgt.s32 v62, $0x0  }
0x29: {  	v2 =	vmin.u32 v2, $0x6;
	v1 =	vnsel vm9, $0x0, v1;
	vm15 =	vgt.s32 v3, $0x0  }
0x2a: {  	v2 =	vmul.u32 $0xC, v2;
	v1 =	vmin.u32 v1, $0x11F;
	v3 =	vnsel vm15, $0x0, v3  }
0x2b: {  	v4 =	vnsel vm14, $0x0, v62;
	v1 =	vmul.u32 $0xC, v1;
	v3 =	vmin.u32 v3, $0x6  }
0x2c: {  	v4 =	vmin.u32 v4, $0x11F;
	[tilespmem:$0x100] =	vst v2;
	v2 =	vmul.u32 $0xC, v3  }
0x2d: {  	[tilespmem:$0x80] =	vst v1;
	v1 =	vmul.u32 $0xC, v4  }
0x2e: {  	[tilespmem:$0x108] =	vst v2  }
0x2f: {  	[tilespmem:$0x88] =	vst v1  }
0x30: {  	_ =	swait.ge [sflag:s13], $0x120  }
0x31: {  	[sflag:s13] =	ssyncset.done $0x0  }
0x32: {  	[sflag:s13] =	ssyncadd.s32 $0xFFFFFEE0  }
0x33: {  	_ =	swait.ge [sflag:s13], $0xD80  }
0x34: {  	[sflag:s13] =	ssyncset.done $0x0  }
0x35: {  	[sflag:s13] =	ssyncadd.s32 $0xFFFFF280  }
0x36: {  	_ =	swait.ge [sflag:s13], $0x54  }
0x37: {  	[sflag:s13] =	ssyncset.done $0x0  }
0x38: {  	s18 =	simm.s32 $0x0;
	[sflag:s13] =	ssyncadd.s32 $0xFFFFFFAC  }
0x39: {  	v1 =	vld [tilespmem:s18+$0x80];
	_ =	sdelay $0x1  }
0x3a: {  	v2 =	vld [tilespmem:s18+$0x100];
	_ =	sdelay $0x2  }
0x3b: {  	(v2sf) =	vpush v1, $0x0;
	_ =	sdelay $0x1  }
0x3c: {  	(v2sf) =	vpush v2, $0x0;
	_ =	sdelay $0xc  }
0x3d: {  	v1 =	vld [tilespmem:s17+$0x0];
	s30 =	spop (v2sf)  }
0x3e: {  	v2 =	vld [tilespmem:s30+$0x300]  }
0x3f: {  	s31 =	spop (v2sf)  }
0x40: {  	v3 =	vld [tilespmem:s31+$0x1100];
	_ =	sdelay $0x2  }
0x41: {  	v1 =	vmul.f32 v2, v1;
	_ =	sdelay $0x1  }
0x42: {  	v1 =	vmul.f32 v3, v1;
	_ =	sdelay $0x1  }
0x43: {  	s20 =	simm.s32 $0x1;
	s19 =	simm.s32 $0x8;
	s18 =	simm.s32 $0x1180;
	[tilespmem:s14+$0x0] =	vst v1  }
.LBB2_2:
0x44: {  	p0 =	sne.s32 s19, $0x5C;
	v1 =	vld [tilespmem:s20+$0x80];
	_ =	sdelay $0x1  }
0x45: {  	v2 =	vld [tilespmem:s20+$0x100];
	_ =	sdelay $0x2  }
0x46: {  	(v2sf) =	vpush v1, $0x0;
	_ =	sdelay $0x1  }
0x47: {  	(v2sf) =	vpush v2, $0x0;
	_ =	sdelay $0xb  }
0x48: {  	s17 =	sadd.s32 $0xC, s17  }
0x49: {  	v1 =	vld [tilespmem:s17+$0x0];
	s20 =	spop (v2sf)  }
0x4a: {  	v2 =	vld [tilespmem:s20+$0x300]  }
0x4b: {  	s20 =	spop (v2sf)  }
0x4c: {  	v3 =	vld [tilespmem:s20+$0x1100];
	_ =	sdelay $0x2  }
.Ltmp0:
0x4d: {  	v1 =	vmul.f32 v2, v1;
	(pc) =	sbr.rel @p0 .LBB2_2-.Ltmp0, $4  }
0x4e: {  	_ = 	snop  }
0x4f: {  	v1 =	vmul.f32 v3, v1  }
0x50: {  	s18 =	sadd.s32 $0xC, s18  }
0x51: {  	s20 =	sshra.s32 s19, $0x2;
	s19 =	sadd.s32 $0x4, s19;
	[tilespmem:s18+$0x0] =	vst v1  }
0x52: {  	v1 =	vld [tilespmem:s20+$0x80];
	_ =	sdelay $0x1  }
0x53: {  	v2 =	vld [tilespmem:s20+$0x100];
	_ =	sdelay $0x2  }
0x54: {  	(v2sf) =	vpush v1, $0x0;
	_ =	sdelay $0x1  }
0x55: {  	(v2sf) =	vpush v2, $0x0;
	_ =	sdelay $0xb  }
0x56: {  	s17 =	sadd.s32 $0xC, s17  }
0x57: {  	v1 =	vld [tilespmem:s17+$0x0];
	s29 =	spop (v2sf)  }
0x58: {  	v2 =	vld [tilespmem:s29+$0x300]  }
0x59: {  	s30 =	spop (v2sf)  }
0x5a: {  	v3 =	vld [tilespmem:s30+$0x1100];
	_ =	sdelay $0x2  }
0x5b: {  	v1 =	vmul.f32 v2, v1;
	_ =	sdelay $0x1  }
0x5c: {  	s16 =	sadd.s32 $0x1, s16;
	v1 =	vmul.f32 v3, v1  }
0x5d: {  	s31 =	sadd.s32 $0xC, s18;
	p0 =	sne.s32 s16, s9  }
.Ltmp1:
0x5e: {  	[tilespmem:s31+$0x0] =	vst v1;
	(pc) =	sbr.rel @p0 .LBB2_1-.Ltmp1, $4  }
0x5f: {  	[hbm4b:s8+s3] =	stream.linear.scatter [tilespmem:s14], [sflag:$0x2], $0x120, $0x38;
	[tilespmem:$0x1300] =	vst v63  }
0x60: {  	_ =	swait.ge [sflag:s15], $0x120  }
0x61: {  	[sflag:s15] =	ssyncset.done $0x0  }
0x62: {  	[sflag:s15] =	ssyncadd.s32 $0xFFFFFEE0  }
0x63: {  	_ =	sfence.sel $0x180000  }
0x64: {  	[bflag:$0x0] =	sbarrier.arrive $0xFFFF  }
0x65: {  	p0 =	sne.s32 s0, $0x0;
	_ =	strace $0x90000047  }
0x66: {  	s0 =	sadd.s32 @!p0 $0x100000, s2;
	[bflag:$0x2] =	sbarrier.arrive $0xFFFF  }
0x67: {  	[sflag:s0] =	ssyncadd.tile.s32 @!p0 $0x1;
	_ =	shalt  }
.Lfunc_end2:
_tile_overlayer_lowered:
.L_overlay_start_2:
0x68: {  	(tag) =	ssettag $0x2  }
0x69: {  	s0 =	rddreg [dreg:$0x0];
	s2 =	stileid.u32  }
0x6a: {  	s1 =	rddreg [dreg:$0x1];
	p0 =	sne.s32 s2, $0x0  }
0x6b: {  	s3 =	rddreg [dreg:$0x2];
	[bflag:$0x3] =	sbarrier.arrive $0xFFFF;
	s2 =	simm.s32 @!p0 $0x1C02  }
0x6c: {  	[timem:s3], [sflag:s2] =	dma.local @!p0 [hbm:s0], s1  }
0x6d: {  	s0 =	simm.s32 @!p0 $0x2  }
0x6e: {  	_ =	swait.ge @!p0 [sflag:s0], s1  }
0x6f: {  	s1 =	ssub.s32 @!p0 $0x0, s1;
	[sflag:s0] =	ssyncset.done @!p0 $0x0  }
0x70: {  	[sflag:s0] =	ssyncadd.s32 @!p0 s1  }
0x71: {  	[bflag:$0x3] =	sbarrier.arrive $0xFFFF  }
0x72: {  	_ =	shalt  }

</sc_bundles>
